<compile_context>
chip_gen: v7x
topology: tpu7x:2x2x1
jax: 0.10.2.dev20260603
libtpu: 0.0.44.dev20260713+nightly
codegen_flags: <defaults>
</compile_context>

<pallas_src>
import functools

import jax
import jax.numpy as jnp
from jax import lax
from jax.experimental import pallas as pl
from jax.experimental.pallas import tpu as pltpu
from jax.experimental.pallas import tpu_sc as plsc

CAPACITY = 262144
OBS_DIM = 128
BATCH = 16384


ROWS = 8192
GRID = CAPACITY // ROWS
NB_BATCH = BATCH // ROWS


def _tc_body(st, ns, stm, nsm, ost, ons):
    i = pl.program_id(0)

    @pl.when(i < NB_BATCH)
    def _():
        ost[...] = st[...]
        ons[...] = ns[...]

    @pl.when(i >= NB_BATCH)
    def _():
        ost[...] = stm[...]
        ons[...] = nsm[...]


def _tc_copy(states, next_states, states_mem, next_states_mem):
    big = pl.BlockSpec((ROWS, OBS_DIM), lambda i: (i, 0))
    big_mem = pl.BlockSpec((ROWS, OBS_DIM), lambda i: (jnp.maximum(i, NB_BATCH), 0))
    big_batch = pl.BlockSpec((ROWS, OBS_DIM), lambda i: (jnp.minimum(i, NB_BATCH - 1), 0))
    return pl.pallas_call(
        _tc_body,
        grid=(GRID,),
        in_specs=[big_batch, big_batch, big_mem, big_mem],
        out_specs=[big, big],
        out_shape=[
            jax.ShapeDtypeStruct((CAPACITY, OBS_DIM), jnp.float32),
            jax.ShapeDtypeStruct((CAPACITY, OBS_DIM), jnp.float32),
        ],
        compiler_params=pltpu.CompilerParams(dimension_semantics=("parallel",)),
    )(states, next_states, states_mem, next_states_mem)



_INFO = plsc.get_sparse_core_info()
_NW = _INFO.num_cores * _INFO.num_subcores
CHUNK = CAPACITY // _NW
NB_W = BATCH // CHUNK


@functools.partial(
    pl.kernel,
    out_type=[
        jax.ShapeDtypeStruct((CAPACITY,), jnp.int32),
        jax.ShapeDtypeStruct((CAPACITY,), jnp.float32),
    ],
    mesh=plsc.VectorSubcoreMesh(core_axis_name="c", subcore_axis_name="s"),
    scratch_types=[
        pltpu.VMEM((CHUNK,), jnp.int32),
        pltpu.VMEM((CHUNK,), jnp.float32),
    ],
)
def _sc_copy(ac, rw, acm, rwm, oac, orw, ac_v, rw_v):
    wid = lax.axis_index("s") * _INFO.num_cores + lax.axis_index("c")
    base = wid * CHUNK

    @pl.when(wid < NB_W)
    def _():
        pltpu.sync_copy(ac.at[pl.ds(base, CHUNK)], ac_v)
        pltpu.sync_copy(rw.at[pl.ds(base, CHUNK)], rw_v)

    @pl.when(wid >= NB_W)
    def _():
        pltpu.sync_copy(acm.at[pl.ds(base, CHUNK)], ac_v)
        pltpu.sync_copy(rwm.at[pl.ds(base, CHUNK)], rw_v)

    pltpu.sync_copy(ac_v, oac.at[pl.ds(base, CHUNK)])
    pltpu.sync_copy(rw_v, orw.at[pl.ds(base, CHUNK)])


def kernel(states, actions, next_states, rewards, states_mem, next_states_mem, actions_mem, rewards_mem):
    out_st, out_ns = _tc_copy(states, next_states, states_mem, next_states_mem)
    out_ac, out_rw = _sc_copy(actions, rewards, actions_mem, rewards_mem)
    return (out_st, out_ac, out_ns, out_rw)

# --- scband reference (transcript-rebuilt; emitter-appended) ---
"""Pipeline reference for scband-memory-63144609186270 (READ-ONLY COPY).

The authoritative reference and input builder live on the scoring server;
editing this copy changes nothing except your own understanding.
"""

import jax, jax.numpy as jnp
import numpy as np

CAPACITY = 262144
OBS_DIM = 128
BATCH = 16384
N_ACTIONS = 18

def setup_inputs(seed: int = 0) -> dict:
    key = jax.random.key(seed)
    k1, k2, k3, k4 = jax.random.split(key, 4)
    return {
        "states": jax.random.normal(k1, (BATCH, OBS_DIM), dtype=jnp.float32),
        "actions": jax.random.randint(k2, (BATCH,), 0, N_ACTIONS, dtype=jnp.int32),
        "next_states": jax.random.normal(k3, (BATCH, OBS_DIM), dtype=jnp.float32),
        "rewards": jax.random.normal(k4, (BATCH,), dtype=jnp.float32),
        "states_mem": jnp.zeros((CAPACITY, OBS_DIM), dtype=jnp.float32),
        "next_states_mem": jnp.zeros((CAPACITY, OBS_DIM), dtype=jnp.float32),
        "actions_mem": jnp.zeros((CAPACITY,), dtype=jnp.int32),
        "rewards_mem": jnp.zeros((CAPACITY,), dtype=jnp.float32),
    }

def reference(states, actions, next_states, rewards, states_mem, next_states_mem, actions_mem, rewards_mem):
    # Faithful translation of Memory.push with position=0 (fresh buffer):
    # idxs = (arange(batch) + position) % capacity, then scatter-overwrite into the
    # circular replay buffers. uris (python strings) are host-side bookkeeping and
    # have no tensor analogue.
    batch_size = states.shape[0]
    capacity = states_mem.shape[0]
    position = 0
    idxs = (jnp.arange(batch_size, dtype=jnp.int32) + position) % capacity
    new_states = states_mem.at[idxs].set(states)
    new_next_states = next_states_mem.at[idxs].set(next_states)
    new_actions = actions_mem.at[idxs].set(actions)
    new_rewards = rewards_mem.at[idxs].set(rewards)
    return (new_states, new_actions, new_next_states, new_rewards)

if __name__ == "__main__":
    import jax
    _d = setup_inputs()
    print(jax.jit(kernel)(*tuple(_d.values())))

</pallas_src>

<mosaic_0001>
#map = affine_map<(d0, d1) -> (0)>
module attributes {stable_mosaic.version = 14 : i64} {
  func.func @_sc_copy(%arg0: i32, %arg1: i32, %arg2: memref<16384xi32, #tpu.memory_space<hbm>>, %arg3: memref<16384xf32, #tpu.memory_space<hbm>>, %arg4: memref<262144xi32, #tpu.memory_space<hbm>>, %arg5: memref<262144xf32, #tpu.memory_space<hbm>>, %arg6: memref<262144xi32, #tpu.memory_space<hbm>>, %arg7: memref<262144xf32, #tpu.memory_space<hbm>>, %arg8: memref<8192xi32, #tpu.memory_space<vmem>>, %arg9: memref<8192xf32, #tpu.memory_space<vmem>>) attributes {dimension_semantics = [#tpu.dimension_semantics<core_parallel>, #tpu.dimension_semantics<subcore_parallel>], iteration_bounds = array<i64: 2, 16>, scalar_prefetch = 0 : i64, scratch_operands = 2 : i64, tpu.core_type = #tpu.core_type<sc_vector_subcore>, window_params = [{transform_indices = #map}, {transform_indices = #map}, {transform_indices = #map}, {transform_indices = #map}, {transform_indices = #map}, {transform_indices = #map}]} {
    %mul3A = arith.constant 2 : i32
    %mul3A_0 = arith.muli %arg1, %mul3A : i32
    %add3A = arith.addi %mul3A_0, %arg0 : i32
    %mul3A_1 = arith.constant 8192 : i32
    %mul3A_2 = arith.muli %add3A, %mul3A_1 : i32
    %lt3A = arith.constant 2 : i32
    %lt3A_3 = arith.cmpi slt, %add3A, %lt3A : i32
    %convert_element_type3A = arith.extui %lt3A_3 : i1 to i32
    %cond3A = arith.constant 0 : i32
    %cond3A_4 = arith.cmpi ne, %convert_element_type3A, %cond3A : i32
    scf.if %cond3A_4 {
      "tpu.region"() ({
        %run_scoped3A = tpu.sem_alloc : memref<!tpu.dma_semaphore, #tpu.memory_space<semaphore_mem>>
        %dma_start3A = tpu.memref_slice %arg2[%mul3A_2] : memref<16384xi32, #tpu.memory_space<hbm>> -> memref<8192xi32, #tpu.memory_space<hbm>>
        %dma_start3A_9 = tpu.memref_slice %arg2[%mul3A_2] : memref<16384xi32, #tpu.memory_space<hbm>> -> memref<8192xi32, #tpu.memory_space<hbm>>
        tpu.enqueue_dma source(%dma_start3A_9 : memref<8192xi32, #tpu.memory_space<hbm>>) target(%arg8 : memref<8192xi32, #tpu.memory_space<vmem>>) target_semaphore(%run_scoped3A : memref<!tpu.dma_semaphore, #tpu.memory_space<semaphore_mem>>)
        %dma_wait3A = tpu.memref_slice %arg2[%mul3A_2] : memref<16384xi32, #tpu.memory_space<hbm>> -> memref<8192xi32, #tpu.memory_space<hbm>>
        %dma_wait3A_10 = tpu.memref_slice %arg2[%mul3A_2] : memref<16384xi32, #tpu.memory_space<hbm>> -> memref<8192xi32, #tpu.memory_space<hbm>>
        tpu.wait_dma2 semaphore(%run_scoped3A : memref<!tpu.dma_semaphore, #tpu.memory_space<semaphore_mem>>) src(%dma_wait3A_10 : memref<8192xi32, #tpu.memory_space<hbm>>) dst(%arg8 : memref<8192xi32, #tpu.memory_space<vmem>>)
        tpu.yield
      }) : () -> ()
      "tpu.region"() ({
        %run_scoped3A = tpu.sem_alloc : memref<!tpu.dma_semaphore, #tpu.memory_space<semaphore_mem>>
        %dma_start3A = tpu.memref_slice %arg3[%mul3A_2] : memref<16384xf32, #tpu.memory_space<hbm>> -> memref<8192xf32, #tpu.memory_space<hbm>>
        %dma_start3A_9 = tpu.memref_slice %arg3[%mul3A_2] : memref<16384xf32, #tpu.memory_space<hbm>> -> memref<8192xf32, #tpu.memory_space<hbm>>
        tpu.enqueue_dma source(%dma_start3A_9 : memref<8192xf32, #tpu.memory_space<hbm>>) target(%arg9 : memref<8192xf32, #tpu.memory_space<vmem>>) target_semaphore(%run_scoped3A : memref<!tpu.dma_semaphore, #tpu.memory_space<semaphore_mem>>)
        %dma_wait3A = tpu.memref_slice %arg3[%mul3A_2] : memref<16384xf32, #tpu.memory_space<hbm>> -> memref<8192xf32, #tpu.memory_space<hbm>>
        %dma_wait3A_10 = tpu.memref_slice %arg3[%mul3A_2] : memref<16384xf32, #tpu.memory_space<hbm>> -> memref<8192xf32, #tpu.memory_space<hbm>>
        tpu.wait_dma2 semaphore(%run_scoped3A : memref<!tpu.dma_semaphore, #tpu.memory_space<semaphore_mem>>) src(%dma_wait3A_10 : memref<8192xf32, #tpu.memory_space<hbm>>) dst(%arg9 : memref<8192xf32, #tpu.memory_space<vmem>>)
        tpu.yield
      }) : () -> ()
    } else {
    }
    %ge3A = arith.constant 2 : i32
    %ge3A_5 = arith.cmpi sge, %add3A, %ge3A : i32
    %convert_element_type3A_6 = arith.extui %ge3A_5 : i1 to i32
    %cond3A_7 = arith.constant 0 : i32
    %cond3A_8 = arith.cmpi ne, %convert_element_type3A_6, %cond3A_7 : i32
    scf.if %cond3A_8 {
      "tpu.region"() ({
        %run_scoped3A = tpu.sem_alloc : memref<!tpu.dma_semaphore, #tpu.memory_space<semaphore_mem>>
        %dma_start3A = tpu.memref_slice %arg4[%mul3A_2] : memref<262144xi32, #tpu.memory_space<hbm>> -> memref<8192xi32, #tpu.memory_space<hbm>>
        %dma_start3A_9 = tpu.memref_slice %arg4[%mul3A_2] : memref<262144xi32, #tpu.memory_space<hbm>> -> memref<8192xi32, #tpu.memory_space<hbm>>
        tpu.enqueue_dma source(%dma_start3A_9 : memref<8192xi32, #tpu.memory_space<hbm>>) target(%arg8 : memref<8192xi32, #tpu.memory_space<vmem>>) target_semaphore(%run_scoped3A : memref<!tpu.dma_semaphore, #tpu.memory_space<semaphore_mem>>)
        %dma_wait3A = tpu.memref_slice %arg4[%mul3A_2] : memref<262144xi32, #tpu.memory_space<hbm>> -> memref<8192xi32, #tpu.memory_space<hbm>>
        %dma_wait3A_10 = tpu.memref_slice %arg4[%mul3A_2] : memref<262144xi32, #tpu.memory_space<hbm>> -> memref<8192xi32, #tpu.memory_space<hbm>>
        tpu.wait_dma2 semaphore(%run_scoped3A : memref<!tpu.dma_semaphore, #tpu.memory_space<semaphore_mem>>) src(%dma_wait3A_10 : memref<8192xi32, #tpu.memory_space<hbm>>) dst(%arg8 : memref<8192xi32, #tpu.memory_space<vmem>>)
        tpu.yield
      }) : () -> ()
      "tpu.region"() ({
        %run_scoped3A = tpu.sem_alloc : memref<!tpu.dma_semaphore, #tpu.memory_space<semaphore_mem>>
        %dma_start3A = tpu.memref_slice %arg5[%mul3A_2] : memref<262144xf32, #tpu.memory_space<hbm>> -> memref<8192xf32, #tpu.memory_space<hbm>>
        %dma_start3A_9 = tpu.memref_slice %arg5[%mul3A_2] : memref<262144xf32, #tpu.memory_space<hbm>> -> memref<8192xf32, #tpu.memory_space<hbm>>
        tpu.enqueue_dma source(%dma_start3A_9 : memref<8192xf32, #tpu.memory_space<hbm>>) target(%arg9 : memref<8192xf32, #tpu.memory_space<vmem>>) target_semaphore(%run_scoped3A : memref<!tpu.dma_semaphore, #tpu.memory_space<semaphore_mem>>)
        %dma_wait3A = tpu.memref_slice %arg5[%mul3A_2] : memref<262144xf32, #tpu.memory_space<hbm>> -> memref<8192xf32, #tpu.memory_space<hbm>>
        %dma_wait3A_10 = tpu.memref_slice %arg5[%mul3A_2] : memref<262144xf32, #tpu.memory_space<hbm>> -> memref<8192xf32, #tpu.memory_space<hbm>>
        tpu.wait_dma2 semaphore(%run_scoped3A : memref<!tpu.dma_semaphore, #tpu.memory_space<semaphore_mem>>) src(%dma_wait3A_10 : memref<8192xf32, #tpu.memory_space<hbm>>) dst(%arg9 : memref<8192xf32, #tpu.memory_space<vmem>>)
        tpu.yield
      }) : () -> ()
    } else {
    }
    "tpu.region"() ({
      %run_scoped3A = tpu.sem_alloc : memref<!tpu.dma_semaphore, #tpu.memory_space<semaphore_mem>>
      %dma_start3A = tpu.memref_slice %arg6[%mul3A_2] : memref<262144xi32, #tpu.memory_space<hbm>> -> memref<8192xi32, #tpu.memory_space<hbm>>
      %dma_start3A_9 = tpu.memref_slice %arg6[%mul3A_2] : memref<262144xi32, #tpu.memory_space<hbm>> -> memref<8192xi32, #tpu.memory_space<hbm>>
      tpu.enqueue_dma source(%arg8 : memref<8192xi32, #tpu.memory_space<vmem>>) target(%dma_start3A_9 : memref<8192xi32, #tpu.memory_space<hbm>>) target_semaphore(%run_scoped3A : memref<!tpu.dma_semaphore, #tpu.memory_space<semaphore_mem>>)
      %dma_wait3A = tpu.memref_slice %arg6[%mul3A_2] : memref<262144xi32, #tpu.memory_space<hbm>> -> memref<8192xi32, #tpu.memory_space<hbm>>
      %dma_wait3A_10 = tpu.memref_slice %arg6[%mul3A_2] : memref<262144xi32, #tpu.memory_space<hbm>> -> memref<8192xi32, #tpu.memory_space<hbm>>
      tpu.wait_dma2 semaphore(%run_scoped3A : memref<!tpu.dma_semaphore, #tpu.memory_space<semaphore_mem>>) src(%arg8 : memref<8192xi32, #tpu.memory_space<vmem>>) dst(%dma_wait3A_10 : memref<8192xi32, #tpu.memory_space<hbm>>)
      tpu.yield
    }) : () -> ()
    "tpu.region"() ({
      %run_scoped3A = tpu.sem_alloc : memref<!tpu.dma_semaphore, #tpu.memory_space<semaphore_mem>>
      %dma_start3A = tpu.memref_slice %arg7[%mul3A_2] : memref<262144xf32, #tpu.memory_space<hbm>> -> memref<8192xf32, #tpu.memory_space<hbm>>
      %dma_start3A_9 = tpu.memref_slice %arg7[%mul3A_2] : memref<262144xf32, #tpu.memory_space<hbm>> -> memref<8192xf32, #tpu.memory_space<hbm>>
      tpu.enqueue_dma source(%arg9 : memref<8192xf32, #tpu.memory_space<vmem>>) target(%dma_start3A_9 : memref<8192xf32, #tpu.memory_space<hbm>>) target_semaphore(%run_scoped3A : memref<!tpu.dma_semaphore, #tpu.memory_space<semaphore_mem>>)
      %dma_wait3A = tpu.memref_slice %arg7[%mul3A_2] : memref<262144xf32, #tpu.memory_space<hbm>> -> memref<8192xf32, #tpu.memory_space<hbm>>
      %dma_wait3A_10 = tpu.memref_slice %arg7[%mul3A_2] : memref<262144xf32, #tpu.memory_space<hbm>> -> memref<8192xf32, #tpu.memory_space<hbm>>
      tpu.wait_dma2 semaphore(%run_scoped3A : memref<!tpu.dma_semaphore, #tpu.memory_space<semaphore_mem>>) src(%arg9 : memref<8192xf32, #tpu.memory_space<vmem>>) dst(%dma_wait3A_10 : memref<8192xf32, #tpu.memory_space<hbm>>)
      tpu.yield
    }) : () -> ()
    return
  }
}

module attributes {stable_mosaic.version = 14 : i64} {
  func.func @_tc_body(%arg0: i32, %arg1: memref<8192x128xf32, #tpu.memory_space<vmem>>, %arg2: memref<8192x128xf32, #tpu.memory_space<vmem>>, %arg3: memref<8192x128xf32, #tpu.memory_space<vmem>>, %arg4: memref<8192x128xf32, #tpu.memory_space<vmem>>, %arg5: memref<8192x128xf32, #tpu.memory_space<vmem>>, %arg6: memref<8192x128xf32, #tpu.memory_space<vmem>>) attributes {dimension_semantics = [#tpu.dimension_semantics<parallel>], iteration_bounds = array<i64: 32>, scalar_prefetch = 0 : i64, scratch_operands = 0 : i64, tpu.core_type = #tpu.core_type<tc>, window_params = [{transform_indices = @transform_0, window_bounds = array<i64: 8192, 128>}, {transform_indices = @transform_1, window_bounds = array<i64: 8192, 128>}, {transform_indices = @transform_2, window_bounds = array<i64: 8192, 128>}, {transform_indices = @transform_3, window_bounds = array<i64: 8192, 128>}, {transform_indices = @transform_4, window_bounds = array<i64: 8192, 128>}, {transform_indices = @transform_5, window_bounds = array<i64: 8192, 128>}]} {
    %lt3A = arith.constant 2 : i32
    %lt3A_0 = arith.cmpi slt, %arg0, %lt3A : i32
    %convert_element_type3A = arith.extui %lt3A_0 : i1 to i32
    %cond3A = arith.constant 0 : i32
    %cond3A_1 = arith.cmpi ne, %convert_element_type3A, %cond3A : i32
    scf.if %cond3A_1 {
      %get3A = arith.constant 0 : index
      %get3A_6 = arith.constant 0 : index
      %get3A_7 = vector.load %arg1[%get3A, %get3A_6] : memref<8192x128xf32, #tpu.memory_space<vmem>>, vector<8192x128xf32>
      %swap3A = arith.constant 0 : index
      %swap3A_8 = arith.constant 0 : index
      %swap3A_9 = vector.load %arg5[%swap3A, %swap3A_8] : memref<8192x128xf32, #tpu.memory_space<vmem>>, vector<8192x128xf32>
      tpu.vector_store %arg5[%swap3A, %swap3A_8], %get3A_7 {strides = array<i32>} : memref<8192x128xf32, #tpu.memory_space<vmem>>, vector<8192x128xf32>,
      %get3A_10 = arith.constant 0 : index
      %get3A_11 = arith.constant 0 : index
      %get3A_12 = vector.load %arg2[%get3A_10, %get3A_11] : memref<8192x128xf32, #tpu.memory_space<vmem>>, vector<8192x128xf32>
      %swap3A_13 = arith.constant 0 : index
      %swap3A_14 = arith.constant 0 : index
      %swap3A_15 = vector.load %arg6[%swap3A_13, %swap3A_14] : memref<8192x128xf32, #tpu.memory_space<vmem>>, vector<8192x128xf32>
      tpu.vector_store %arg6[%swap3A_13, %swap3A_14], %get3A_12 {strides = array<i32>} : memref<8192x128xf32, #tpu.memory_space<vmem>>, vector<8192x128xf32>,
    } else {
    }
    %ge3A = arith.constant 2 : i32
    %ge3A_2 = arith.cmpi sge, %arg0, %ge3A : i32
    %convert_element_type3A_3 = arith.extui %ge3A_2 : i1 to i32
    %cond3A_4 = arith.constant 0 : i32
    %cond3A_5 = arith.cmpi ne, %convert_element_type3A_3, %cond3A_4 : i32
    scf.if %cond3A_5 {
      %get3A = arith.constant 0 : index
      %get3A_6 = arith.constant 0 : index
      %get3A_7 = vector.load %arg3[%get3A, %get3A_6] : memref<8192x128xf32, #tpu.memory_space<vmem>>, vector<8192x128xf32>
      %swap3A = arith.constant 0 : index
      %swap3A_8 = arith.constant 0 : index
      %swap3A_9 = vector.load %arg5[%swap3A, %swap3A_8] : memref<8192x128xf32, #tpu.memory_space<vmem>>, vector<8192x128xf32>
      tpu.vector_store %arg5[%swap3A, %swap3A_8], %get3A_7 {strides = array<i32>} : memref<8192x128xf32, #tpu.memory_space<vmem>>, vector<8192x128xf32>,
      %get3A_10 = arith.constant 0 : index
      %get3A_11 = arith.constant 0 : index
      %get3A_12 = vector.load %arg4[%get3A_10, %get3A_11] : memref<8192x128xf32, #tpu.memory_space<vmem>>, vector<8192x128xf32>
      %swap3A_13 = arith.constant 0 : index
      %swap3A_14 = arith.constant 0 : index
      %swap3A_15 = vector.load %arg6[%swap3A_13, %swap3A_14] : memref<8192x128xf32, #tpu.memory_space<vmem>>, vector<8192x128xf32>
      tpu.vector_store %arg6[%swap3A_13, %swap3A_14], %get3A_12 {strides = array<i32>} : memref<8192x128xf32, #tpu.memory_space<vmem>>, vector<8192x128xf32>,
    } else {
    }
    return
  }
  func.func @transform_0(%arg0: i32) -> (i32, i32) {
    %min3A = arith.constant 1 : i32
    %min3A_0 = arith.minsi %arg0, %min3A : i32
    %c0_i32 = arith.constant 0 : i32
    %c0_i32_1 = arith.constant 0 : i32
    return %min3A_0, %c0_i32 : i32, i32
  }
  func.func @transform_1(%arg0: i32) -> (i32, i32) {
    %min3A = arith.constant 1 : i32
    %min3A_0 = arith.minsi %arg0, %min3A : i32
    %c0_i32 = arith.constant 0 : i32
    %c0_i32_1 = arith.constant 0 : i32
    return %min3A_0, %c0_i32 : i32, i32
  }
  func.func @transform_2(%arg0: i32) -> (i32, i32) {
    %max3A = arith.constant 2 : i32
    %max3A_0 = arith.maxsi %arg0, %max3A : i32
    %c0_i32 = arith.constant 0 : i32
    %c0_i32_1 = arith.constant 0 : i32
    return %max3A_0, %c0_i32 : i32, i32
  }
  func.func @transform_3(%arg0: i32) -> (i32, i32) {
    %max3A = arith.constant 2 : i32
    %max3A_0 = arith.maxsi %arg0, %max3A : i32
    %c0_i32 = arith.constant 0 : i32
    %c0_i32_1 = arith.constant 0 : i32
    return %max3A_0, %c0_i32 : i32, i32
  }
  func.func @transform_4(%arg0: i32) -> (i32, i32) {
    %c0_i32 = arith.constant 0 : i32
    %c0_i32_0 = arith.constant 0 : i32
    return %arg0, %c0_i32 : i32, i32
  }
  func.func @transform_5(%arg0: i32) -> (i32, i32) {
    %c0_i32 = arith.constant 0 : i32
    %c0_i32_0 = arith.constant 0 : i32
    return %arg0, %c0_i32 : i32, i32
  }
}

</mosaic_0001>

<sc_bundles>
// kernel: kernel.4.cloned.1.call-start
scs
__scs_entry_jumppad:
0x0: {  	(pc) =	sbr.rel $0x88, $3  }
0x1: {  	(tag) =	ssettag $0x0;
	lr =	simm.s32 $0x1  }
0x2: {  	[smem:$0x3F99] =	sst lr;
	_ =	strace $0xD0000000  }
0x3: {  	_ = 	snop  }
0x4: {  	_ = 	snop  }
0x5: {  	_ = 	snop  }
0x6: {  	_ = 	snop  }
0x7: {  	_ = 	snop  }
__scs_overlays_trampoline_lowered:
0x8: {  	[smem:$0x3FA8] =	sst s0  }
0x9: {  	[smem:$0x3FA9] =	sst s1  }
0xa: {  	[smem:$0x3FAA] =	sst s2  }
0xb: {  	[smem:$0x3FAB] =	sst s3  }
0xc: {  	[smem:$0x3FAC] =	sst s4  }
0xd: {  	[smem:$0x3FAD] =	sst s5  }
0xe: {  	[smem:$0x3FAE] =	sst s6  }
0xf: {  	[smem:$0x3FAF] =	sst s7  }
0x10: {  	[smem:$0x3FB0] =	sst s8  }
0x11: {  	[smem:$0x3FB1] =	sst s9;
	s0 =	simm.s32 @!p0 $0x0  }
0x12: {  	s1 =	sld [smem:$0x3F97];
	s0 =	simm.s32 @p0 $0x1  }
0x13: {  	[smem:$0x3FB2] =	sst s0;
	s0 =	simm.s32 @!p1 $0x0  }
0x14: {  	s2 =	sld [smem:$0x3F96];
	s0 =	simm.s32 @p1 $0x1  }
0x15: {  	[smem:$0x3FB3] =	sst s0;
	s0 =	simm.s32 @!p2 $0x0  }
0x16: {  	s3 =	sld [smem:$0x3FDB];
	s0 =	simm.s32 @p2 $0x1  }
0x17: {  	s4 =	simm.s32 $0x1BF5;
	[smem:$0x3FB5] =	sst s0  }
0x18: {  	s0 =	sld [smem:$0x3F98];
	_ =	swait.ge [sflag:s4], $0x0  }
0x19: {  	s7 =	sld [smem:$0x3F99]  }
0x1a: {  	s8 =	sadd.s32 $0xFFFFE003, lr  }
0x1b: {  	s9 =	sadd.s32 $0xFFFFFEF7, lr;
	s5 =	simm.s32 $0xFFFFFFFF;
	p2 =	slt.u32 s8, $0xFFFFF086  }
0x1c: {  	p1 =	slt.u32 s9, $0xF7A;
	s5 =	simm.s32 @!p2 $0x0  }
0x1d: {  	s5 =	simm.s32 @p1 $0x1;
	p0 =	seq.s32 s7, s2  }
0x1e: {  	s7 =	smul.u32 @!p0 $0xF7A, s2;
	p2 =	seq.s32 @!p0 s5, $0x0  }
0x1f: {  	s9 =	smul.u32 $0xF7A, s1;
	s8 =	simm.s32 @!p0 $0x1BF5;
	p2 =	por !p2, p0  }
0x20: {  	[sflag:s8] =	ssyncset.s32 @!p0 $0xFFFFF086;
	s6 =	sadd.s32 @!p0 s3, s7;
	s7 =	simm.s32 @!p0 $0x108  }
0x21: {  	s3 =	sadd.s32 s3, s9;
	s6 =	sadd.s32 @!p0 $0x88, s6;
	s7 =	simm.s32 @p2 $0x1082  }
0x22: {  	[simem:s7], [sflag:s8] =	dma.local @!p0 [hbm:s6], $0xF7A  }
0x23: {  	s9 =	sor.u32 $0xD0000000, s2;
	s6 =	simm.s32 $0x108;
	_ =	swait.ge @!p0 [sflag:s8], $0x0  }
0x24: {  	s3 =	sadd.s32 $0x88, s3;
	s6 =	simm.s32 @!p1 $0x1082;
	[sflag:s4] =	ssyncset.s32 $0xFFFFF086  }
0x25: {  	[simem:s6], [sflag:s4] =	dma.local [hbm:s3], $0xF7A  }
0x26: {  	[smem:$0x3F99] =	sst s1;
	(tag) =	ssettag s2;
	_ =	strace s9  }
0x27: {  	s1 =	sld [smem:$0x3FA9]  }
0x28: {  	s2 =	sld [smem:$0x3FAA]  }
0x29: {  	s4 =	sld [smem:$0x3FAC]  }
0x2a: {  	p0 =	seq.s32 s5, $0x0;
	s5 =	sld [smem:$0x3FAD]  }
0x2b: {  	s6 =	sld [smem:$0x3FAE]  }
0x2c: {  	s7 =	sld [smem:$0x3FAF]  }
0x2d: {  	s3 =	simm.s32 $0x108;
	s8 =	sld [smem:$0x3FB0]  }
0x2e: {  	s3 =	simm.s32 @!p0 $0x1082;
	s9 =	sld [smem:$0x3FB1]  }
0x2f: {  	lr =	sadd.s32 s0, s3;
	s0 =	sld [smem:$0x3FA8]  }
0x30: {  	s3 =	sld [smem:$0x3FAB]  }
0x31: {  	[smem:$0x3FB4] =	sst s10  }
0x32: {  	s10 =	sld [smem:$0x3FB2];
	_ =	sdelay $0x3  }
0x33: {  	p0 =	seq.s32 s10, $0x1;
	s10 =	sld [smem:$0x3FB4];
	_ =	sdelay $0x3  }
0x34: {  	[smem:$0x3FB4] =	sst s10  }
0x35: {  	s10 =	sld [smem:$0x3FB3];
	_ =	sdelay $0x3  }
0x36: {  	p1 =	seq.s32 s10, $0x1;
	s10 =	sld [smem:$0x3FB4];
	_ =	sdelay $0x3  }
0x37: {  	[smem:$0x3FB4] =	sst s10  }
0x38: {  	s10 =	sld [smem:$0x3FB5]  }
0x39: {  	_ = 	snop;
	(pc) =	sbr.ind lr, $3  }
0x3a: {  	_ = 	snop  }
0x3b: {  	_ = 	snop  }
0x3c: {  	p2 =	seq.s32 s10, $0x1;
	s10 =	sld [smem:$0x3FB4]  }
0x3d: {  	_ =	shalt  }
0x3e: {  	_ =	shalt  }
0x3f: {  	_ =	shalt  }
0x40: {  	_ =	shalt  }
0x41: {  	_ =	shalt  }
0x42: {  	_ =	shalt  }
0x43: {  	_ =	shalt  }
0x44: {  	_ =	shalt  }
0x45: {  	_ =	shalt  }
0x46: {  	_ =	shalt  }
0x47: {  	_ =	shalt  }
0x48: {  	_ =	shalt  }
0x49: {  	_ =	shalt  }
0x4a: {  	_ =	shalt  }
0x4b: {  	_ =	shalt  }
0x4c: {  	_ =	shalt  }
0x4d: {  	_ =	shalt  }
0x4e: {  	_ =	shalt  }
0x4f: {  	_ =	shalt  }
0x50: {  	_ =	shalt  }
0x51: {  	_ =	shalt  }
0x52: {  	_ =	shalt  }
0x53: {  	_ =	shalt  }
0x54: {  	_ =	shalt  }
0x55: {  	_ =	shalt  }
0x56: {  	_ =	shalt  }
0x57: {  	_ =	shalt  }
0x58: {  	_ =	shalt  }
0x59: {  	_ =	shalt  }
0x5a: {  	_ =	shalt  }
0x5b: {  	_ =	shalt  }
0x5c: {  	_ =	shalt  }
0x5d: {  	_ =	shalt  }
0x5e: {  	_ =	shalt  }
0x5f: {  	_ =	shalt  }
0x60: {  	_ =	shalt  }
0x61: {  	_ =	shalt  }
0x62: {  	_ =	shalt  }
0x63: {  	_ =	shalt  }
0x64: {  	_ =	shalt  }
0x65: {  	_ =	shalt  }
0x66: {  	_ =	shalt  }
0x67: {  	_ =	shalt  }
0x68: {  	_ =	shalt  }
0x69: {  	_ =	shalt  }
0x6a: {  	_ =	shalt  }
0x6b: {  	_ =	shalt  }
0x6c: {  	_ =	shalt  }
0x6d: {  	_ =	shalt  }
0x6e: {  	_ =	shalt  }
0x6f: {  	_ =	shalt  }
0x70: {  	_ =	shalt  }
0x71: {  	_ =	shalt  }
0x72: {  	_ =	shalt  }
0x73: {  	_ =	shalt  }
0x74: {  	_ =	shalt  }
0x75: {  	_ =	shalt  }
0x76: {  	_ =	shalt  }
0x77: {  	_ =	shalt  }
0x78: {  	_ =	shalt  }
0x79: {  	_ =	shalt  }
0x7a: {  	_ =	shalt  }
0x7b: {  	_ =	shalt  }
0x7c: {  	_ =	shalt  }
0x7d: {  	_ =	shalt  }
0x7e: {  	_ =	shalt  }
0x7f: {  	_ =	shalt  }
0x80: {  	_ =	shalt  }
0x81: {  	_ =	shalt  }
0x82: {  	_ =	shalt  }
0x83: {  	_ =	shalt  }
0x84: {  	_ =	shalt  }
0x85: {  	_ =	shalt  }
0x86: {  	_ =	shalt  }
0x87: {  	_ =	shalt  }
.Lfunc_end0:
.L_simem_size_0:
called_computation_lowered:
.L_overlay_start_0:
0x88: {  	s2 =	sld [smem:$0x3FD9]  }
0x89: {  	s3 =	sld [smem:$0x3FFE];
	_ =	sdelay $0x1  }
0x8a: {  	s1 =	srdreg.scid  }
0x8b: {  	s0 =	sand.u32 $0x1, s1  }
0x8c: {  	s15 =	sshll.u32 s0, $0xA;
	s2 =	sadd.s32 s3, s2  }
0x8d: {  	s2 =	sadd.s32 s2, s15  }
0x8e: {  	[smem:$0x3FC0] =	sst s2  }
0x8f: {  	_ = 	snop  }
0x90: {  	s2 =	sld [smem:$0x3FC8]  }
0x91: {  	s16 =	sld [smem:$0x3FD0]  }
0x92: {  	s4 =	sld [smem:$0x3FC6]  }
0x93: {  	s5 =	sld [smem:$0x3FC3]  }
0x94: {  	s7 =	simm.s32 $0xA;
	s8 =	simm.s32 $0x10;
	s6 =	sld [smem:$0x3FC2]  }
0x95: {  	[smem:s8], [sflag:s7] =	dma.local [hbm:s16], $0x1  }
0x96: {  	_ =	swait.eq [sflag:s7], $0x1  }
0x97: {  	[sflag:s7] =	ssyncset.done $0x0  }
0x98: {  	s17 =	sld [smem:$0x11];
	[sflag:s7] =	ssyncadd.s32 $0xFFFFFFFF  }
0x99: {  	s18 =	sld [smem:$0x13];
	(tm) =	ssettm $0x1  }
0x9a: {  	s19 =	sld [smem:$0x3FFB];
	_ =	sdelay $0x3  }
0x9b: {  	_ =	strace s19  }
0x9c: {  	s8 =	sld [smem:$0x3FFC];
	_ =	sdelay $0x3  }
0x9d: {  	_ =	strace s8  }
0x9e: {  	s8 =	sld [smem:$0x3FFD];
	_ =	sdelay $0x3  }
0x9f: {  	_ =	strace s8  }
0xa0: {  	_ =	strace $0x8FFFFFFF  }
0xa1: {  	s20 =	sld [smem:$0x3FDB];
	_ =	sdelay $0x1  }
0xa2: {  	s9 =	simm.s32 $_scs_section_size  }
0xa3: {  	s10 =	simm.s32 $_size__tile_overlayer_lowered;
	s11 =	simm.s32 $_tile_overlayer_lowered  }
0xa4: {  	s23 =	simm.s32 $0x1BFF;
	s22 =	sshll.u32 s11, $0x1;
	s8 =	sadd.s32 s9, s20  }
0xa5: {  	s12 =	simm.s32 $0x0;
	s21 =	sshll.u32 s10, $0x1;
	s10 =	sadd.s32 s22, s8  }
0xa6: {  	[timem:s12], [sflag:s23] =	dma.local [hbm:s10], s21  }
0xa7: {  	_ =	swait.ge [sflag:s23], s21  }
0xa8: {  	s9 =	ssub.s32 $0x0, s21;
	[sflag:s23] =	ssyncset.done $0x0  }
0xa9: {  	[sflag:s23] =	ssyncadd.s32 s9;
	_ =	sdelay $0x1  }
0xaa: {  	s24 =	simm.s32 $0x1B8B  }
0xab: {  	_ =	swait.ge [sflag:s24], $0x1  }
0xac: {  	[sflag:s24] =	ssyncset.done $0x0  }
0xad: {  	s25 =	simm.s32 $0x1B8E;
	[sflag:s24] =	ssyncadd.s32 $0xFFFFFFFF  }
0xae: {  	s26 =	simm.s32 $execute0_lowered;
	[smem:$0x3FD2] =	sst s25  }
0xaf: {  	s9 =	sshll.u32 s26, $0x1;
	_ =	strace $0x80000046;
	[dreg:$0x1] =	wrdreg $0xFFFFFFFF  }
0xb0: {  	s28 =	simm.s32 $_size_execute0_lowered;
	s8 =	sadd.s32 s8, s9;
	[dreg:$0x0] =	wrdreg $0x0  }
0xb1: {  	s9 =	sshll.u32 s28, $0x1;
	[dreg:$0x2] =	wrdreg s8  }
0xb2: {  	[dreg:$0x3] =	wrdreg s9  }
0xb3: {  	[dreg:$0x4] =	wrdreg $0xC0  }
0xb4: {  	_ =	task [dreg:s12], $0x5FFFF  }
0xb5: {  	[dreg:$0x1] =	wrdreg $0xFFFFFFFF  }
0xb6: {  	[dreg:$0x0] =	wrdreg $0x60  }
0xb7: {  	[dreg:$0x2] =	wrdreg s2  }
0xb8: {  	[dreg:$0x3] =	wrdreg s4  }
0xb9: {  	[dreg:$0x4] =	wrdreg s5  }
0xba: {  	[dreg:$0x5] =	wrdreg s6  }
0xbb: {  	[dreg:$0x6] =	wrdreg s17  }
0xbc: {  	[dreg:$0x7] =	wrdreg s18  }
0xbd: {  	[dreg:$0x8] =	wrdreg $0x9  }
0xbe: {  	_ =	task.clear_ibuf [dreg:s12], $0x9FFFF;
	_ =	strace $0x90000046  }
0xbf: {  	s29 =	simm.s32 $0x9;
	_ =	strace $0x80000048  }
0xc0: {  	_ =	swait.ge [sflag:s29], $0x1  }
0xc1: {  	[sflag:s29] =	ssyncadd.s32 $0xFFFFFFFF  }
0xc2: {  	_ =	strace $0x90000048  }
0xc3: {  	_ =	sfence  }
0xc4: {  	s30 =	sld [smem:$0x0];
	_ =	sdelay $0x2  }
0xc5: {  	s31 =	sshll.u32 s1, $0xD;
	s1 =	sshrl.u32 s1, $0x2  }
0xc6: {  	s3 =	sand.u32 $0x4000, s31;
	s1 =	sadd.s32 s1, s30  }
0xc7: {  	s0 =	sor.u32 s3, s0;
	s1 =	sshll.u32 s1, $0x11  }
0xc8: {  	s0 =	sor.u32 s1, s0  }
0xc9: {  	s0 =	sadd.s32 $0x8F2B, s0  }
0xca: {  	[sflag:s0] =	ssyncadd.remote.s32 $0x1  }
0xcb: {  	_ =	sfence.sel $0xFFFF  }
0xcc: {  	[dreg:$0x0] =	wrdreg $0xFFFFFFFF;
	(pc) =	sbr.abs _section_cstart, $3  }
0xcd: {  	[dreg:$0x1] =	wrdreg $0xFFFFFFFF  }
0xce: {  	_ =	task.clear_ibuf [dreg:s12], $0x2FFFF;
	_ =	strace $0x9FFFFFFF  }
0xcf: {  	(tm) =	ssettm $0x7FFFFFFF  }
tec
execute0_lowered:
.L_overlay_start_1:
0x0: {  	(tag) =	ssettag $0x1  }
0x1: {  	s4 =	rddreg [dreg:$0x0]  }
0x2: {  	s6 =	rddreg [dreg:$0x1]  }
0x3: {  	s3 =	rddreg [dreg:$0x2]  }
0x4: {  	s5 =	rddreg [dreg:$0x3]  }
0x5: {  	s7 =	rddreg [dreg:$0x4];
	s2 =	srdreg.scid  }
0x6: {  	s8 =	rddreg [dreg:$0x5];
	s1 =	stileid.u32;
	s9 =	sand.u32 $0x1, s2  }
0x7: {  	s0 =	rddreg [dreg:$0x6];
	s10 =	sshll.u32 s1, $0xB;
	s11 =	sshll.u32 s9, $0xA  }
0x8: {  	s2 =	simm.s32 $0x0;
	p0 =	seq.s32 s1, $0x0;
	s10 =	sor.u32 s11, s10  }
0x9: {  	[smem:$0x7FF] =	sst s2;
	s4 =	sadd.s32 s4, s11;
	s3 =	sadd.s32 s3, s10  }
0xa: {  	_ =	strace $0x80000047;
	s3 =	smov.u32 @p0 s4;
	s4 =	simm.s32 $0x1  }
0xb: {  	[tilespmem:s2], [sflag:$0x1] =	stream.linear.gather [hbm4b:s3+s2], $0x2000, $0x38;
	[tilespmem:$0x4000] =	vst v63  }
0xc: {  	s9 =	ssub.s32 $0x2, s9;
	_ =	swait.ge [sflag:s4], $0x2000  }
0xd: {  	s6 =	sadd.s32 s6, s11;
	s5 =	sadd.s32 s5, s10;
	[sflag:s4] =	ssyncset.done $0x0  }
0xe: {  	s5 =	smov.u32 @p0 s6;
	s6 =	simm.s32 $0x2000;
	[sflag:s4] =	ssyncadd.s32 $0xFFFFE000  }
0xf: {  	[tilespmem:s6], [sflag:$0x1] =	stream.linear.gather [hbm4b:s5+s2], $0x2000, $0x38;
	[tilespmem:$0x4000] =	vst v63  }
0x10: {  	s31 =	sshrl.u32 s9, $0x1;
	_ =	swait.ge [sflag:s4], $0x2000  }
0x11: {  	s9 =	ssub.s32 s9, s31;
	[sflag:s4] =	ssyncset.done $0x0  }
0x12: {  	s7 =	sadd.s32 s7, s10;
	s9 =	smax.u32 s9, $0x1;
	[sflag:s4] =	ssyncadd.s32 $0xFFFFE000  }
0x13: {  	[hbm4b:s7+s2] =	stream.linear.scatter [tilespmem:s2], [sflag:$0x1], $0x2000, $0x38;
	[tilespmem:$0x4000] =	vst v63  }
0x14: {  	p0 =	sne.s32 s9, $0x1;
	_ =	swait.ge [sflag:s4], $0x2000  }
.Ltmp0:
0x15: {  	[sflag:s4] =	ssyncset.done $0x0;
	(pc) =	sbr.rel @!p0 .LBB2_2-.Ltmp0, $4  }
0x16: {  	s8 =	sadd.s32 s8, s10;
	[sflag:s4] =	ssyncadd.s32 $0xFFFFE000  }
0x17: {  	[hbm4b:s8+s2] =	stream.linear.scatter [tilespmem:s6], [sflag:$0x1], $0x2000, $0x38;
	[tilespmem:$0x4000] =	vst v63  }
0x18: {  	_ =	swait.ge [sflag:s4], $0x2000  }
0x19: {  	s9 =	sadd.s32 $0xFFFFFFFF, s9;
	[sflag:s4] =	ssyncset.done $0x0  }
.LBB2_1:
0x1a: {  	p0 =	sne.s32 s9, $0x1;
	s9 =	sadd.s32 $0xFFFFFFFF, s9;
	[sflag:s4] =	ssyncadd.s32 $0xFFFFE000  }
0x1b: {  	[tilespmem:s2], [sflag:$0x1] =	stream.linear.gather [hbm4b:s3+s2], $0x2000, $0x38;
	[tilespmem:$0x4000] =	vst v63  }
0x1c: {  	_ =	swait.ge [sflag:s4], $0x2000  }
0x1d: {  	[sflag:s4] =	ssyncset.done $0x0  }
0x1e: {  	[sflag:s4] =	ssyncadd.s32 $0xFFFFE000  }
0x1f: {  	[tilespmem:s6], [sflag:$0x1] =	stream.linear.gather [hbm4b:s5+s2], $0x2000, $0x38;
	[tilespmem:$0x4000] =	vst v63  }
0x20: {  	_ =	swait.ge [sflag:s4], $0x2000  }
0x21: {  	[sflag:s4] =	ssyncset.done $0x0  }
0x22: {  	[sflag:s4] =	ssyncadd.s32 $0xFFFFE000  }
0x23: {  	[hbm4b:s7+s2] =	stream.linear.scatter [tilespmem:s2], [sflag:$0x1], $0x2000, $0x38;
	[tilespmem:$0x4000] =	vst v63  }
0x24: {  	_ =	swait.ge [sflag:s4], $0x2000  }
.Ltmp1:
0x25: {  	[sflag:s4] =	ssyncset.done $0x0;
	(pc) =	sbr.rel @p0 .LBB2_1-.Ltmp1, $4  }
0x26: {  	[sflag:s4] =	ssyncadd.s32 $0xFFFFE000  }
0x27: {  	[hbm4b:s8+s2] =	stream.linear.scatter [tilespmem:s6], [sflag:$0x1], $0x2000, $0x38;
	[tilespmem:$0x4000] =	vst v63  }
0x28: {  	_ =	swait.ge [sflag:s4], $0x2000  }
0x29: {  	[sflag:s4] =	ssyncset.done $0x0  }
.LBB2_2:
0x2a: {  	[sflag:s4] =	ssyncadd.s32 $0xFFFFE000  }
0x2b: {  	_ =	sfence.sel $0x180000  }
0x2c: {  	[bflag:$0x0] =	sbarrier.arrive $0xFFFF  }
0x2d: {  	p0 =	sne.s32 s1, $0x0;
	_ =	strace $0x90000047  }
0x2e: {  	s0 =	sadd.s32 @!p0 $0x100000, s0;
	[bflag:$0x2] =	sbarrier.arrive $0xFFFF  }
0x2f: {  	[sflag:s0] =	ssyncadd.tile.s32 @!p0 $0x1;
	_ =	shalt  }
.Lfunc_end2:
_tile_overlayer_lowered:
.L_overlay_start_2:
0x30: {  	(tag) =	ssettag $0x2  }
0x31: {  	s0 =	rddreg [dreg:$0x0];
	s2 =	stileid.u32  }
0x32: {  	s1 =	rddreg [dreg:$0x1];
	p0 =	sne.s32 s2, $0x0  }
0x33: {  	s3 =	rddreg [dreg:$0x2];
	[bflag:$0x3] =	sbarrier.arrive $0xFFFF;
	s2 =	simm.s32 @!p0 $0x1C01  }
0x34: {  	[timem:s3], [sflag:s2] =	dma.local @!p0 [hbm:s0], s1  }
0x35: {  	s0 =	simm.s32 @!p0 $0x1  }
0x36: {  	_ =	swait.ge @!p0 [sflag:s0], s1  }
0x37: {  	s1 =	ssub.s32 @!p0 $0x0, s1;
	[sflag:s0] =	ssyncset.done @!p0 $0x0  }
0x38: {  	[sflag:s0] =	ssyncadd.s32 @!p0 s1  }
0x39: {  	[bflag:$0x3] =	sbarrier.arrive $0xFFFF  }
0x3a: {  	_ =	shalt  }

</sc_bundles>
